<compile_context>
chip_gen: v7x
topology: tpu7x:2x2x1
jax: 0.10.2.dev20260603
libtpu: 0.0.44.dev20260713+nightly
codegen_flags: <defaults>
</compile_context>

<pallas_src>
import functools

import jax
import jax.numpy as jnp
from jax import lax
from jax.experimental import pallas as pl
from jax.experimental.pallas import tpu as pltpu
from jax.experimental.pallas import tpu_sc as plsc

SEQ = 200
DIM = 128
BATCH = 1024
ROWS = BATCH * SEQ
CHUNK = 128
NCHUNK = ROWS // CHUNK

_info = plsc.get_sparse_core_info()
_NC, _NS = _info.num_cores, _info.num_subcores
_NW = _NC * _NS
_CPW = NCHUNK // _NW
_NBUF = 6
_STAGE = 40


def _emb_kernel(idx_hbm, token_hbm, pos_hbm, out_hbm,
                idx_v, rows_v, pos_sh, psem, gsem, wsem):
    sub = lax.axis_index("s")
    wid = sub * _NC + lax.axis_index("c")
    c0 = wid * _CPW
    pltpu.sync_copy(idx_hbm.at[wid], idx_v)

    @pl.when(sub < (2 * SEQ) // _STAGE)
    def _stage_pos():
        d0 = pl.multiple_of(sub * _STAGE, 8)
        s0 = pl.multiple_of(lax.rem(sub * _STAGE, SEQ), 8)
        pltpu.sync_copy(pos_hbm.at[pl.ds(s0, _STAGE)],
                        pos_sh.at[pl.ds(d0, _STAGE)])

    plsc.subcore_barrier()

    def prefill(kk, b):
        bm = pl.multiple_of(lax.rem((c0 + kk) * CHUNK, SEQ), 8)
        pltpu.async_copy(pos_sh.at[pl.ds(bm, CHUNK)], rows_v.at[b],
                         psem.at[b])

    def gather(kk, b):
        pltpu.make_async_copy(pos_sh.at[pl.ds(0, CHUNK)], rows_v.at[b],
                              psem.at[b]).wait()
        pltpu.async_copy(token_hbm.at[idx_v.at[kk]], rows_v.at[b],
                         gsem.at[b], add=True)

    def write(kk, b):
        pltpu.make_async_copy(token_hbm.at[idx_v.at[0]], rows_v.at[b],
                              gsem.at[b]).wait()
        pltpu.async_copy(rows_v.at[b], out_hbm.at[pl.ds((c0 + kk) * CHUNK,
                                                        CHUNK)], wsem.at[b])

    prefill(0, 0)
    prefill(1, 1)
    gather(0, 0)

    def body(j, carry):
        b = lax.rem(j, _NBUF)
        b1 = lax.rem(j + 1, _NBUF)
        b2 = lax.rem(j + 2, _NBUF)

        @pl.when(j + 2 < _CPW)
        def _start_prefill():
            @pl.when(j >= _NBUF - 2)
            def _wait_old_write():
                pltpu.make_async_copy(
                    rows_v.at[b2], out_hbm.at[pl.ds(0, CHUNK)], wsem.at[b2]
                ).wait()

            prefill(j + 2, b2)

        @pl.when(j + 1 < _CPW)
        def _start_gather():
            gather(j + 1, b1)

        write(j, b)
        return carry

    lax.fori_loop(0, _CPW, body, 0)
    for b in range(_NBUF):
        pltpu.make_async_copy(rows_v.at[b], out_hbm.at[pl.ds(0, CHUNK)],
                              wsem.at[b]).wait()


@jax.jit
def kernel(inputs, token_table, position_table):
    idx = inputs.astype(jnp.int32).reshape(_NW, _CPW, CHUNK)
    run = functools.partial(
        pl.kernel,
        mesh=plsc.VectorSubcoreMesh(core_axis_name="c", subcore_axis_name="s"),
        out_type=jax.ShapeDtypeStruct((ROWS, DIM), jnp.float32),
        scratch_types=[
            pltpu.VMEM((_CPW, CHUNK), jnp.int32),
            pltpu.VMEM((_NBUF, CHUNK, DIM), jnp.float32),
            pltpu.VMEM_SHARED((2 * SEQ, DIM), jnp.float32),
            pltpu.SemaphoreType.DMA((_NBUF,)),
            pltpu.SemaphoreType.DMA((_NBUF,)),
            pltpu.SemaphoreType.DMA((_NBUF,)),
        ],
    )(_emb_kernel)
    out = run(idx, token_table, position_table)
    return out.reshape(BATCH, SEQ, DIM)

# --- scband reference (transcript-rebuilt; emitter-appended) ---
"""Pipeline reference for scband-positional-embedding-73667279061020 (READ-ONLY COPY).

The authoritative reference and input builder live on the scoring server;
editing this copy changes nothing except your own understanding.
"""

import jax, jax.numpy as jnp
import numpy as np

SEQ_LEN = 200
VOCAB = 100000
DIM = 128
BATCH = 1024

def setup_inputs(seed: int = 0) -> dict:
    key = jax.random.key(seed)
    k1, k2, k3 = jax.random.split(key, 3)
    inputs = jax.random.randint(k1, (BATCH, SEQ_LEN), 0, VOCAB, dtype=jnp.int64 if jax.config.jax_enable_x64 else jnp.int32)
    token_table = jax.random.normal(k2, (VOCAB, DIM), dtype=jnp.float32) * 0.02
    position_table = jax.random.normal(k3, (SEQ_LEN, DIM), dtype=jnp.float32) * 0.02
    return {"inputs": inputs, "token_table": token_table, "position_table": position_table}

def reference(inputs, token_table, position_table):
    length = inputs.shape[-1]
    positions = jnp.arange(0, length)
    embedded_tokens = jnp.take(token_table, inputs, axis=0)
    embedded_positions = jnp.take(position_table, positions, axis=0)
    output = embedded_tokens + embedded_positions[None, :, :]
    return output

if __name__ == "__main__":
    import jax
    _d = setup_inputs()
    print(jax.jit(kernel)(*tuple(_d.values())))

</pallas_src>

<mosaic_0001>
#map = affine_map<(d0, d1) -> (0, 0, 0)>
#map1 = affine_map<(d0, d1) -> (0, 0)>
module attributes {stable_mosaic.version = 14 : i64} {
  func.func @_emb_kernel(%arg0: i32, %arg1: i32, %arg2: memref<32x50x128xi32, #tpu.memory_space<hbm>>, %arg3: memref<100000x128xf32, #tpu.memory_space<hbm>>, %arg4: memref<200x128xf32, #tpu.memory_space<hbm>>, %arg5: memref<204800x128xf32, #tpu.memory_space<hbm>>, %arg6: memref<50x128xi32, #tpu.memory_space<vmem>>, %arg7: memref<6x128x128xf32, #tpu.memory_space<vmem>>, %arg8: memref<400x128xf32, #tpu.memory_space<vmem_shared>>, %arg9: memref<6x!tpu.dma_semaphore, #tpu.memory_space<semaphore_mem>>, %arg10: memref<6x!tpu.dma_semaphore, #tpu.memory_space<semaphore_mem>>, %arg11: memref<6x!tpu.dma_semaphore, #tpu.memory_space<semaphore_mem>>) attributes {dimension_semantics = [#tpu.dimension_semantics<core_parallel>, #tpu.dimension_semantics<subcore_parallel>], iteration_bounds = array<i64: 2, 16>, scalar_prefetch = 0 : i64, scratch_operands = 6 : i64, tpu.core_type = #tpu.core_type<sc_vector_subcore>, window_params = [{transform_indices = #map}, {transform_indices = #map1}, {transform_indices = #map1}, {transform_indices = #map1}]} {
    %mul3A = arith.constant 2 : i32
    %mul3A_0 = arith.muli %arg1, %mul3A : i32
    %add3A = arith.addi %mul3A_0, %arg0 : i32
    %mul3A_1 = arith.constant 50 : i32
    %mul3A_2 = arith.muli %add3A, %mul3A_1 : i32
    "tpu.region"() ({
      %run_scoped3A = tpu.sem_alloc : memref<!tpu.dma_semaphore, #tpu.memory_space<semaphore_mem>>
      %dma_start3A_193 = arith.constant 0 : i32
      %dma_start3A_194 = arith.constant 0 : i32
      %dma_start3A_195 = tpu.memref_slice %arg2[%add3A, %dma_start3A_193, %dma_start3A_194] : memref<32x50x128xi32, #tpu.memory_space<hbm>> -> memref<1x50x128xi32, #tpu.memory_space<hbm>>
      %dma_start3A_196 = tpu.memref_squeeze %dma_start3A_195 : memref<1x50x128xi32, #tpu.memory_space<hbm>> -> memref<50x128xi32, #tpu.memory_space<hbm>>
      %dma_start3A_197 = arith.constant 0 : i32
      %dma_start3A_198 = arith.constant 0 : i32
      %dma_start3A_199 = tpu.memref_slice %arg2[%add3A, %dma_start3A_197, %dma_start3A_198] : memref<32x50x128xi32, #tpu.memory_space<hbm>> -> memref<1x50x128xi32, #tpu.memory_space<hbm>>
      %dma_start3A_200 = tpu.memref_squeeze %dma_start3A_199 : memref<1x50x128xi32, #tpu.memory_space<hbm>> -> memref<50x128xi32, #tpu.memory_space<hbm>>
      tpu.enqueue_dma source(%dma_start3A_200 : memref<50x128xi32, #tpu.memory_space<hbm>>) target(%arg6 : memref<50x128xi32, #tpu.memory_space<vmem>>) target_semaphore(%run_scoped3A : memref<!tpu.dma_semaphore, #tpu.memory_space<semaphore_mem>>)
      %dma_wait3A_201 = arith.constant 0 : i32
      %dma_wait3A_202 = arith.constant 0 : i32
      %dma_wait3A_203 = tpu.memref_slice %arg2[%add3A, %dma_wait3A_201, %dma_wait3A_202] : memref<32x50x128xi32, #tpu.memory_space<hbm>> -> memref<1x50x128xi32, #tpu.memory_space<hbm>>
      %dma_wait3A_204 = tpu.memref_squeeze %dma_wait3A_203 : memref<1x50x128xi32, #tpu.memory_space<hbm>> -> memref<50x128xi32, #tpu.memory_space<hbm>>
      %dma_wait3A_205 = arith.constant 0 : i32
      %dma_wait3A_206 = arith.constant 0 : i32
      %dma_wait3A_207 = tpu.memref_slice %arg2[%add3A, %dma_wait3A_205, %dma_wait3A_206] : memref<32x50x128xi32, #tpu.memory_space<hbm>> -> memref<1x50x128xi32, #tpu.memory_space<hbm>>
      %dma_wait3A_208 = tpu.memref_squeeze %dma_wait3A_207 : memref<1x50x128xi32, #tpu.memory_space<hbm>> -> memref<50x128xi32, #tpu.memory_space<hbm>>
      tpu.wait_dma2 semaphore(%run_scoped3A : memref<!tpu.dma_semaphore, #tpu.memory_space<semaphore_mem>>) src(%dma_wait3A_208 : memref<50x128xi32, #tpu.memory_space<hbm>>) dst(%arg6 : memref<50x128xi32, #tpu.memory_space<vmem>>)
      tpu.yield
    }) : () -> ()
    %lt3A = arith.constant 10 : i32
    %lt3A_3 = arith.cmpi slt, %arg1, %lt3A : i32
    %convert_element_type3A = arith.extui %lt3A_3 : i1 to i32
    %cond3A = arith.constant 0 : i32
    %cond3A_4 = arith.cmpi ne, %convert_element_type3A, %cond3A : i32
    scf.if %cond3A_4 {
      %mul3A_193 = arith.constant 40 : i32
      %mul3A_194 = arith.muli %arg1, %mul3A_193 : i32
      %multiple_of3A_195 = tpu.assume_multiple %mul3A_194, 8 : i32
      %mul3A_196 = arith.constant 40 : i32
      %mul3A_197 = arith.muli %arg1, %mul3A_196 : i32
      %rem3A_198 = arith.constant 200 : i32
      %rem3A_199 = arith.remsi %mul3A_197, %rem3A_198 : i32
      %multiple_of3A_200 = tpu.assume_multiple %rem3A_199, 8 : i32
      "tpu.region"() ({
        %run_scoped3A = tpu.sem_alloc : memref<!tpu.dma_semaphore, #tpu.memory_space<semaphore_mem>>
        %dma_start3A_201 = arith.constant 0 : i32
        %dma_start3A_202 = tpu.memref_slice %arg8[%multiple_of3A_195, %dma_start3A_201] : memref<400x128xf32, #tpu.memory_space<vmem_shared>> -> memref<40x128xf32, #tpu.memory_space<vmem_shared>>
        %dma_start3A_203 = arith.constant 0 : i32
        %dma_start3A_204 = tpu.memref_slice %arg4[%multiple_of3A_200, %dma_start3A_203] : memref<200x128xf32, #tpu.memory_space<hbm>> -> memref<40x128xf32, #tpu.memory_space<hbm>>
        tpu.enqueue_dma source(%dma_start3A_204 : memref<40x128xf32, #tpu.memory_space<hbm>>) target(%dma_start3A_202 : memref<40x128xf32, #tpu.memory_space<vmem_shared>>) target_semaphore(%run_scoped3A : memref<!tpu.dma_semaphore, #tpu.memory_space<semaphore_mem>>)
        %dma_wait3A_205 = arith.constant 0 : i32
        %dma_wait3A_206 = tpu.memref_slice %arg8[%multiple_of3A_195, %dma_wait3A_205] : memref<400x128xf32, #tpu.memory_space<vmem_shared>> -> memref<40x128xf32, #tpu.memory_space<vmem_shared>>
        %dma_wait3A_207 = arith.constant 0 : i32
        %dma_wait3A_208 = tpu.memref_slice %arg4[%multiple_of3A_200, %dma_wait3A_207] : memref<200x128xf32, #tpu.memory_space<hbm>> -> memref<40x128xf32, #tpu.memory_space<hbm>>
        tpu.wait_dma2 semaphore(%run_scoped3A : memref<!tpu.dma_semaphore, #tpu.memory_space<semaphore_mem>>) src(%dma_wait3A_208 : memref<40x128xf32, #tpu.memory_space<hbm>>) dst(%dma_wait3A_206 : memref<40x128xf32, #tpu.memory_space<vmem_shared>>)
        tpu.yield
      }) : () -> ()
    } else {
    }
    %barrier3A = arith.constant 0 : index
    tpu.barrier barrier_id(%barrier3A)
    %add3A_5 = arith.constant 0 : i32
    %add3A_6 = arith.addi %mul3A_2, %add3A_5 : i32
    %mul3A_7 = arith.constant 128 : i32
    %mul3A_8 = arith.muli %add3A_6, %mul3A_7 : i32
    %rem3A = arith.constant 200 : i32
    %rem3A_9 = arith.remsi %mul3A_8, %rem3A : i32
    %multiple_of3A = tpu.assume_multiple %rem3A_9, 8 : i32
    %dma_start3A = arith.constant 0 : i32
    %dma_start3A_10 = arith.constant 0 : i32
    %dma_start3A_11 = arith.constant 0 : i32
    %dma_start3A_12 = arith.constant 0 : i32
    %dma_start3A_13 = tpu.memref_slice %arg7[%dma_start3A, %dma_start3A_11, %dma_start3A_12] : memref<6x128x128xf32, #tpu.memory_space<vmem>> -> memref<1x128x128xf32, #tpu.memory_space<vmem>>
    %dma_start3A_14 = tpu.memref_squeeze %dma_start3A_13 : memref<1x128x128xf32, #tpu.memory_space<vmem>> -> memref<128x128xf32, #tpu.memory_space<vmem>>
    %dma_start3A_15 = arith.constant 0 : i32
    %dma_start3A_16 = tpu.memref_slice %arg8[%multiple_of3A, %dma_start3A_15] : memref<400x128xf32, #tpu.memory_space<vmem_shared>> -> memref<128x128xf32, #tpu.memory_space<vmem_shared>>
    %dma_start3A_17 = tpu.memref_slice %arg9[%dma_start3A_10] : memref<6x!tpu.dma_semaphore, #tpu.memory_space<semaphore_mem>> -> memref<1x!tpu.dma_semaphore, #tpu.memory_space<semaphore_mem>>
    %dma_start3A_18 = tpu.memref_squeeze %dma_start3A_17 : memref<1x!tpu.dma_semaphore, #tpu.memory_space<semaphore_mem>> -> memref<!tpu.dma_semaphore, #tpu.memory_space<semaphore_mem>>
    %dma_start3A_19 = arith.constant 0 : i32
    %dma_start3A_20 = arith.constant 0 : i32
    %dma_start3A_21 = tpu.memref_slice %arg7[%dma_start3A, %dma_start3A_19, %dma_start3A_20] : memref<6x128x128xf32, #tpu.memory_space<vmem>> -> memref<1x128x128xf32, #tpu.memory_space<vmem>>
    %dma_start3A_22 = tpu.memref_squeeze %dma_start3A_21 : memref<1x128x128xf32, #tpu.memory_space<vmem>> -> memref<128x128xf32, #tpu.memory_space<vmem>>
    %dma_start3A_23 = arith.constant 0 : i32
    %dma_start3A_24 = tpu.memref_slice %arg8[%multiple_of3A, %dma_start3A_23] : memref<400x128xf32, #tpu.memory_space<vmem_shared>> -> memref<128x128xf32, #tpu.memory_space<vmem_shared>>
    tpu.enqueue_dma source(%dma_start3A_24 : memref<128x128xf32, #tpu.memory_space<vmem_shared>>) target(%dma_start3A_22 : memref<128x128xf32, #tpu.memory_space<vmem>>) target_semaphore(%dma_start3A_18 : memref<!tpu.dma_semaphore, #tpu.memory_space<semaphore_mem>>)
    %add3A_25 = arith.constant 1 : i32
    %add3A_26 = arith.addi %mul3A_2, %add3A_25 : i32
    %mul3A_27 = arith.constant 128 : i32
    %mul3A_28 = arith.muli %add3A_26, %mul3A_27 : i32
    %rem3A_29 = arith.constant 200 : i32
    %rem3A_30 = arith.remsi %mul3A_28, %rem3A_29 : i32
    %multiple_of3A_31 = tpu.assume_multiple %rem3A_30, 8 : i32
    %dma_start3A_32 = arith.constant 1 : i32
    %dma_start3A_33 = arith.constant 1 : i32
    %dma_start3A_34 = arith.constant 0 : i32
    %dma_start3A_35 = arith.constant 0 : i32
    %dma_start3A_36 = tpu.memref_slice %arg7[%dma_start3A_32, %dma_start3A_34, %dma_start3A_35] : memref<6x128x128xf32, #tpu.memory_space<vmem>> -> memref<1x128x128xf32, #tpu.memory_space<vmem>>
    %dma_start3A_37 = tpu.memref_squeeze %dma_start3A_36 : memref<1x128x128xf32, #tpu.memory_space<vmem>> -> memref<128x128xf32, #tpu.memory_space<vmem>>
    %dma_start3A_38 = arith.constant 0 : i32
    %dma_start3A_39 = tpu.memref_slice %arg8[%multiple_of3A_31, %dma_start3A_38] : memref<400x128xf32, #tpu.memory_space<vmem_shared>> -> memref<128x128xf32, #tpu.memory_space<vmem_shared>>
    %dma_start3A_40 = tpu.memref_slice %arg9[%dma_start3A_33] : memref<6x!tpu.dma_semaphore, #tpu.memory_space<semaphore_mem>> -> memref<1x!tpu.dma_semaphore, #tpu.memory_space<semaphore_mem>>
    %dma_start3A_41 = tpu.memref_squeeze %dma_start3A_40 : memref<1x!tpu.dma_semaphore, #tpu.memory_space<semaphore_mem>> -> memref<!tpu.dma_semaphore, #tpu.memory_space<semaphore_mem>>
    %dma_start3A_42 = arith.constant 0 : i32
    %dma_start3A_43 = arith.constant 0 : i32
    %dma_start3A_44 = tpu.memref_slice %arg7[%dma_start3A_32, %dma_start3A_42, %dma_start3A_43] : memref<6x128x128xf32, #tpu.memory_space<vmem>> -> memref<1x128x128xf32, #tpu.memory_space<vmem>>
    %dma_start3A_45 = tpu.memref_squeeze %dma_start3A_44 : memref<1x128x128xf32, #tpu.memory_space<vmem>> -> memref<128x128xf32, #tpu.memory_space<vmem>>
    %dma_start3A_46 = arith.constant 0 : i32
    %dma_start3A_47 = tpu.memref_slice %arg8[%multiple_of3A_31, %dma_start3A_46] : memref<400x128xf32, #tpu.memory_space<vmem_shared>> -> memref<128x128xf32, #tpu.memory_space<vmem_shared>>
    tpu.enqueue_dma source(%dma_start3A_47 : memref<128x128xf32, #tpu.memory_space<vmem_shared>>) target(%dma_start3A_45 : memref<128x128xf32, #tpu.memory_space<vmem>>) target_semaphore(%dma_start3A_41 : memref<!tpu.dma_semaphore, #tpu.memory_space<semaphore_mem>>)
    %dma_wait3A = arith.constant 0 : i32
    %dma_wait3A_48 = arith.constant 0 : i32
    %dma_wait3A_49 = arith.constant 0 : i32
    %dma_wait3A_50 = arith.constant 0 : i32
    %dma_wait3A_51 = tpu.memref_slice %arg7[%dma_wait3A, %dma_wait3A_49, %dma_wait3A_50] : memref<6x128x128xf32, #tpu.memory_space<vmem>> -> memref<1x128x128xf32, #tpu.memory_space<vmem>>
    %dma_wait3A_52 = tpu.memref_squeeze %dma_wait3A_51 : memref<1x128x128xf32, #tpu.memory_space<vmem>> -> memref<128x128xf32, #tpu.memory_space<vmem>>
    %dma_wait3A_53 = arith.constant 0 : i32
    %dma_wait3A_54 = arith.constant 0 : i32
    %dma_wait3A_55 = tpu.memref_slice %arg8[%dma_wait3A_53, %dma_wait3A_54] : memref<400x128xf32, #tpu.memory_space<vmem_shared>> -> memref<128x128xf32, #tpu.memory_space<vmem_shared>>
    %dma_wait3A_56 = tpu.memref_slice %arg9[%dma_wait3A_48] : memref<6x!tpu.dma_semaphore, #tpu.memory_space<semaphore_mem>> -> memref<1x!tpu.dma_semaphore, #tpu.memory_space<semaphore_mem>>
    %dma_wait3A_57 = tpu.memref_squeeze %dma_wait3A_56 : memref<1x!tpu.dma_semaphore, #tpu.memory_space<semaphore_mem>> -> memref<!tpu.dma_semaphore, #tpu.memory_space<semaphore_mem>>
    %dma_wait3A_58 = arith.constant 0 : i32
    %dma_wait3A_59 = arith.constant 0 : i32
    %dma_wait3A_60 = tpu.memref_slice %arg7[%dma_wait3A, %dma_wait3A_58, %dma_wait3A_59] : memref<6x128x128xf32, #tpu.memory_space<vmem>> -> memref<1x128x128xf32, #tpu.memory_space<vmem>>
    %dma_wait3A_61 = tpu.memref_squeeze %dma_wait3A_60 : memref<1x128x128xf32, #tpu.memory_space<vmem>> -> memref<128x128xf32, #tpu.memory_space<vmem>>
    %dma_wait3A_62 = arith.constant 0 : i32
    %dma_wait3A_63 = arith.constant 0 : i32
    %dma_wait3A_64 = tpu.memref_slice %arg8[%dma_wait3A_62, %dma_wait3A_63] : memref<400x128xf32, #tpu.memory_space<vmem_shared>> -> memref<128x128xf32, #tpu.memory_space<vmem_shared>>
    tpu.wait_dma2 semaphore(%dma_wait3A_57 : memref<!tpu.dma_semaphore, #tpu.memory_space<semaphore_mem>>) src(%dma_wait3A_64 : memref<128x128xf32, #tpu.memory_space<vmem_shared>>) dst(%dma_wait3A_61 : memref<128x128xf32, #tpu.memory_space<vmem>>)
    %dma_start3A_65 = arith.constant 0 : i32
    %dma_start3A_66 = arith.constant 0 : i32
    %dma_start3A_67 = arith.constant 0 : i32
    %dma_start3A_68 = arith.constant 0 : i32
    %dma_start3A_69 = arith.constant 0 : i32
    %dma_start3A_70 = tpu.memref_slice %arg7[%dma_start3A_66, %dma_start3A_68, %dma_start3A_69] : memref<6x128x128xf32, #tpu.memory_space<vmem>> -> memref<1x128x128xf32, #tpu.memory_space<vmem>>
    %dma_start3A_71 = tpu.memref_squeeze %dma_start3A_70 : memref<1x128x128xf32, #tpu.memory_space<vmem>> -> memref<128x128xf32, #tpu.memory_space<vmem>>
    %dma_start3A_72 = arith.constant 0 : i32
    %dma_start3A_73 = tpu.memref_slice %arg6[%dma_start3A_65, %dma_start3A_72] : memref<50x128xi32, #tpu.memory_space<vmem>> -> memref<1x128xi32, #tpu.memory_space<vmem>>
    %dma_start3A_74 = tpu.memref_squeeze %dma_start3A_73 : memref<1x128xi32, #tpu.memory_space<vmem>> -> memref<128xi32, #tpu.memory_space<vmem>>
    %dma_start3A_75 = arith.constant 0 : i32
    %dma_start3A_76 = arith.constant 0 : i32
    %dma_start3A_77 = tpu.memref_slice %arg3[%dma_start3A_75, %dma_start3A_76] : memref<100000x128xf32, #tpu.memory_space<hbm>> -> memref<100000x128xf32, #tpu.memory_space<hbm>>
    %dma_start3A_78 = tpu.memref_slice %arg10[%dma_start3A_67] : memref<6x!tpu.dma_semaphore, #tpu.memory_space<semaphore_mem>> -> memref<1x!tpu.dma_semaphore, #tpu.memory_space<semaphore_mem>>
    %dma_start3A_79 = tpu.memref_squeeze %dma_start3A_78 : memref<1x!tpu.dma_semaphore, #tpu.memory_space<semaphore_mem>> -> memref<!tpu.dma_semaphore, #tpu.memory_space<semaphore_mem>>
    tpu.enqueue_indirect_dma source(%dma_start3A_77 : memref<100000x128xf32, #tpu.memory_space<hbm>>) target(%dma_start3A_71 : memref<128x128xf32, #tpu.memory_space<vmem>>) offsets(%dma_start3A_74 : memref<128xi32, #tpu.memory_space<vmem>>) semaphore(%dma_start3A_79 : memref<!tpu.dma_semaphore, #tpu.memory_space<semaphore_mem>>) {add = true}
    %scan3A = arith.constant 0 : i32
    %scan3A_80 = arith.constant 0 : i32
    %scan3A_81 = arith.constant 50 : i32
    %scan3A_82 = arith.addi %scan3A_80, %scan3A_81 : i32
    %scan3A_83 = arith.constant 1 : i32
    scf.for %scan3A_193 = %scan3A_80 to %scan3A_82 step %scan3A_83  : i32 {
      %rem3A_194 = arith.constant 6 : i32
      %rem3A_195 = arith.remsi %scan3A_193, %rem3A_194 : i32
      %add3A_196 = arith.constant 1 : i32
      %add3A_197 = arith.addi %scan3A_193, %add3A_196 : i32
      %rem3A_198 = arith.constant 6 : i32
      %rem3A_199 = arith.remsi %add3A_197, %rem3A_198 : i32
      %add3A_200 = arith.constant 2 : i32
      %add3A_201 = arith.addi %scan3A_193, %add3A_200 : i32
      %rem3A_202 = arith.constant 6 : i32
      %rem3A_203 = arith.remsi %add3A_201, %rem3A_202 : i32
      %add3A_204 = arith.constant 2 : i32
      %add3A_205 = arith.addi %scan3A_193, %add3A_204 : i32
      %lt3A_206 = arith.constant 50 : i32
      %lt3A_207 = arith.cmpi slt, %add3A_205, %lt3A_206 : i32
      %convert_element_type3A_208 = arith.extui %lt3A_207 : i1 to i32
      %cond3A_209 = arith.constant 0 : i32
      %cond3A_210 = arith.cmpi ne, %convert_element_type3A_208, %cond3A_209 : i32
      scf.if %cond3A_210 {
        %ge3A = arith.constant 4 : i32
        %ge3A_248 = arith.cmpi sge, %scan3A_193, %ge3A : i32
        %convert_element_type3A_249 = arith.extui %ge3A_248 : i1 to i32
        %cond3A_250 = arith.constant 0 : i32
        %cond3A_251 = arith.cmpi ne, %convert_element_type3A_249, %cond3A_250 : i32
        scf.if %cond3A_251 {
          %dma_wait3A_274 = arith.constant 0 : i32
          %dma_wait3A_275 = arith.constant 0 : i32
          %dma_wait3A_276 = tpu.memref_slice %arg7[%rem3A_203, %dma_wait3A_274, %dma_wait3A_275] : memref<6x128x128xf32, #tpu.memory_space<vmem>> -> memref<1x128x128xf32, #tpu.memory_space<vmem>>
          %dma_wait3A_277 = tpu.memref_squeeze %dma_wait3A_276 : memref<1x128x128xf32, #tpu.memory_space<vmem>> -> memref<128x128xf32, #tpu.memory_space<vmem>>
          %dma_wait3A_278 = arith.constant 0 : i32
          %dma_wait3A_279 = arith.constant 0 : i32
          %dma_wait3A_280 = tpu.memref_slice %arg5[%dma_wait3A_278, %dma_wait3A_279] : memref<204800x128xf32, #tpu.memory_space<hbm>> -> memref<128x128xf32, #tpu.memory_space<hbm>>
          %dma_wait3A_281 = tpu.memref_slice %arg11[%rem3A_203] : memref<6x!tpu.dma_semaphore, #tpu.memory_space<semaphore_mem>> -> memref<1x!tpu.dma_semaphore, #tpu.memory_space<semaphore_mem>>
          %dma_wait3A_282 = tpu.memref_squeeze %dma_wait3A_281 : memref<1x!tpu.dma_semaphore, #tpu.memory_space<semaphore_mem>> -> memref<!tpu.dma_semaphore, #tpu.memory_space<semaphore_mem>>
          %dma_wait3A_283 = arith.constant 0 : i32
          %dma_wait3A_284 = arith.constant 0 : i32
          %dma_wait3A_285 = tpu.memref_slice %arg5[%dma_wait3A_283, %dma_wait3A_284] : memref<204800x128xf32, #tpu.memory_space<hbm>> -> memref<128x128xf32, #tpu.memory_space<hbm>>
          %dma_wait3A_286 = arith.constant 0 : i32
          %dma_wait3A_287 = arith.constant 0 : i32
          %dma_wait3A_288 = tpu.memref_slice %arg7[%rem3A_203, %dma_wait3A_286, %dma_wait3A_287] : memref<6x128x128xf32, #tpu.memory_space<vmem>> -> memref<1x128x128xf32, #tpu.memory_space<vmem>>
          %dma_wait3A_289 = tpu.memref_squeeze %dma_wait3A_288 : memref<1x128x128xf32, #tpu.memory_space<vmem>> -> memref<128x128xf32, #tpu.memory_space<vmem>>
          tpu.wait_dma2 semaphore(%dma_wait3A_282 : memref<!tpu.dma_semaphore, #tpu.memory_space<semaphore_mem>>) src(%dma_wait3A_289 : memref<128x128xf32, #tpu.memory_space<vmem>>) dst(%dma_wait3A_285 : memref<128x128xf32, #tpu.memory_space<hbm>>)
        } else {
        }
        %add3A_252 = arith.constant 2 : i32
        %add3A_253 = arith.addi %scan3A_193, %add3A_252 : i32
        %add3A_254 = arith.addi %mul3A_2, %add3A_253 : i32
        %mul3A_255 = arith.constant 128 : i32
        %mul3A_256 = arith.muli %add3A_254, %mul3A_255 : i32
        %rem3A_257 = arith.constant 200 : i32
        %rem3A_258 = arith.remsi %mul3A_256, %rem3A_257 : i32
        %multiple_of3A_259 = tpu.assume_multiple %rem3A_258, 8 : i32
        %dma_start3A_260 = arith.constant 0 : i32
        %dma_start3A_261 = arith.constant 0 : i32
        %dma_start3A_262 = tpu.memref_slice %arg7[%rem3A_203, %dma_start3A_260, %dma_start3A_261] : memref<6x128x128xf32, #tpu.memory_space<vmem>> -> memref<1x128x128xf32, #tpu.memory_space<vmem>>
        %dma_start3A_263 = tpu.memref_squeeze %dma_start3A_262 : memref<1x128x128xf32, #tpu.memory_space<vmem>> -> memref<128x128xf32, #tpu.memory_space<vmem>>
        %dma_start3A_264 = arith.constant 0 : i32
        %dma_start3A_265 = tpu.memref_slice %arg8[%multiple_of3A_259, %dma_start3A_264] : memref<400x128xf32, #tpu.memory_space<vmem_shared>> -> memref<128x128xf32, #tpu.memory_space<vmem_shared>>
        %dma_start3A_266 = tpu.memref_slice %arg9[%rem3A_203] : memref<6x!tpu.dma_semaphore, #tpu.memory_space<semaphore_mem>> -> memref<1x!tpu.dma_semaphore, #tpu.memory_space<semaphore_mem>>
        %dma_start3A_267 = tpu.memref_squeeze %dma_start3A_266 : memref<1x!tpu.dma_semaphore, #tpu.memory_space<semaphore_mem>> -> memref<!tpu.dma_semaphore, #tpu.memory_space<semaphore_mem>>
        %dma_start3A_268 = arith.constant 0 : i32
        %dma_start3A_269 = arith.constant 0 : i32
        %dma_start3A_270 = tpu.memref_slice %arg7[%rem3A_203, %dma_start3A_268, %dma_start3A_269] : memref<6x128x128xf32, #tpu.memory_space<vmem>> -> memref<1x128x128xf32, #tpu.memory_space<vmem>>
        %dma_start3A_271 = tpu.memref_squeeze %dma_start3A_270 : memref<1x128x128xf32, #tpu.memory_space<vmem>> -> memref<128x128xf32, #tpu.memory_space<vmem>>
        %dma_start3A_272 = arith.constant 0 : i32
        %dma_start3A_273 = tpu.memref_slice %arg8[%multiple_of3A_259, %dma_start3A_272] : memref<400x128xf32, #tpu.memory_space<vmem_shared>> -> memref<128x128xf32, #tpu.memory_space<vmem_shared>>
        tpu.enqueue_dma source(%dma_start3A_273 : memref<128x128xf32, #tpu.memory_space<vmem_shared>>) target(%dma_start3A_271 : memref<128x128xf32, #tpu.memory_space<vmem>>) target_semaphore(%dma_start3A_267 : memref<!tpu.dma_semaphore, #tpu.memory_space<semaphore_mem>>)
      } else {
      }
      %add3A_211 = arith.constant 1 : i32
      %add3A_212 = arith.addi %scan3A_193, %add3A_211 : i32
      %lt3A_213 = arith.constant 50 : i32
      %lt3A_214 = arith.cmpi slt, %add3A_212, %lt3A_213 : i32
      %convert_element_type3A_215 = arith.extui %lt3A_214 : i1 to i32
      %cond3A_216 = arith.constant 0 : i32
      %cond3A_217 = arith.cmpi ne, %convert_element_type3A_215, %cond3A_216 : i32
      scf.if %cond3A_217 {
        %add3A_248 = arith.constant 1 : i32
        %add3A_249 = arith.addi %scan3A_193, %add3A_248 : i32
        %dma_wait3A_250 = arith.constant 0 : i32
        %dma_wait3A_251 = arith.constant 0 : i32
        %dma_wait3A_252 = tpu.memref_slice %arg7[%rem3A_199, %dma_wait3A_250, %dma_wait3A_251] : memref<6x128x128xf32, #tpu.memory_space<vmem>> -> memref<1x128x128xf32, #tpu.memory_space<vmem>>
        %dma_wait3A_253 = tpu.memref_squeeze %dma_wait3A_252 : memref<1x128x128xf32, #tpu.memory_space<vmem>> -> memref<128x128xf32, #tpu.memory_space<vmem>>
        %dma_wait3A_254 = arith.constant 0 : i32
        %dma_wait3A_255 = arith.constant 0 : i32
        %dma_wait3A_256 = tpu.memref_slice %arg8[%dma_wait3A_254, %dma_wait3A_255] : memref<400x128xf32, #tpu.memory_space<vmem_shared>> -> memref<128x128xf32, #tpu.memory_space<vmem_shared>>
        %dma_wait3A_257 = tpu.memref_slice %arg9[%rem3A_199] : memref<6x!tpu.dma_semaphore, #tpu.memory_space<semaphore_mem>> -> memref<1x!tpu.dma_semaphore, #tpu.memory_space<semaphore_mem>>
        %dma_wait3A_258 = tpu.memref_squeeze %dma_wait3A_257 : memref<1x!tpu.dma_semaphore, #tpu.memory_space<semaphore_mem>> -> memref<!tpu.dma_semaphore, #tpu.memory_space<semaphore_mem>>
        %dma_wait3A_259 = arith.constant 0 : i32
        %dma_wait3A_260 = arith.constant 0 : i32
        %dma_wait3A_261 = tpu.memref_slice %arg7[%rem3A_199, %dma_wait3A_259, %dma_wait3A_260] : memref<6x128x128xf32, #tpu.memory_space<vmem>> -> memref<1x128x128xf32, #tpu.memory_space<vmem>>
        %dma_wait3A_262 = tpu.memref_squeeze %dma_wait3A_261 : memref<1x128x128xf32, #tpu.memory_space<vmem>> -> memref<128x128xf32, #tpu.memory_space<vmem>>
        %dma_wait3A_263 = arith.constant 0 : i32
        %dma_wait3A_264 = arith.constant 0 : i32
        %dma_wait3A_265 = tpu.memref_slice %arg8[%dma_wait3A_263, %dma_wait3A_264] : memref<400x128xf32, #tpu.memory_space<vmem_shared>> -> memref<128x128xf32, #tpu.memory_space<vmem_shared>>
        tpu.wait_dma2 semaphore(%dma_wait3A_258 : memref<!tpu.dma_semaphore, #tpu.memory_space<semaphore_mem>>) src(%dma_wait3A_265 : memref<128x128xf32, #tpu.memory_space<vmem_shared>>) dst(%dma_wait3A_262 : memref<128x128xf32, #tpu.memory_space<vmem>>)
        %dma_start3A_266 = arith.constant 0 : i32
        %dma_start3A_267 = arith.constant 0 : i32
        %dma_start3A_268 = tpu.memref_slice %arg7[%rem3A_199, %dma_start3A_266, %dma_start3A_267] : memref<6x128x128xf32, #tpu.memory_space<vmem>> -> memref<1x128x128xf32, #tpu.memory_space<vmem>>
        %dma_start3A_269 = tpu.memref_squeeze %dma_start3A_268 : memref<1x128x128xf32, #tpu.memory_space<vmem>> -> memref<128x128xf32, #tpu.memory_space<vmem>>
        %dma_start3A_270 = arith.constant 0 : i32
        %dma_start3A_271 = tpu.memref_slice %arg6[%add3A_249, %dma_start3A_270] : memref<50x128xi32, #tpu.memory_space<vmem>> -> memref<1x128xi32, #tpu.memory_space<vmem>>
        %dma_start3A_272 = tpu.memref_squeeze %dma_start3A_271 : memref<1x128xi32, #tpu.memory_space<vmem>> -> memref<128xi32, #tpu.memory_space<vmem>>
        %dma_start3A_273 = arith.constant 0 : i32
        %dma_start3A_274 = arith.constant 0 : i32
        %dma_start3A_275 = tpu.memref_slice %arg3[%dma_start3A_273, %dma_start3A_274] : memref<100000x128xf32, #tpu.memory_space<hbm>> -> memref<100000x128xf32, #tpu.memory_space<hbm>>
        %dma_start3A_276 = tpu.memref_slice %arg10[%rem3A_199] : memref<6x!tpu.dma_semaphore, #tpu.memory_space<semaphore_mem>> -> memref<1x!tpu.dma_semaphore, #tpu.memory_space<semaphore_mem>>
        %dma_start3A_277 = tpu.memref_squeeze %dma_start3A_276 : memref<1x!tpu.dma_semaphore, #tpu.memory_space<semaphore_mem>> -> memref<!tpu.dma_semaphore, #tpu.memory_space<semaphore_mem>>
        tpu.enqueue_indirect_dma source(%dma_start3A_275 : memref<100000x128xf32, #tpu.memory_space<hbm>>) target(%dma_start3A_269 : memref<128x128xf32, #tpu.memory_space<vmem>>) offsets(%dma_start3A_272 : memref<128xi32, #tpu.memory_space<vmem>>) semaphore(%dma_start3A_277 : memref<!tpu.dma_semaphore, #tpu.memory_space<semaphore_mem>>) {add = true}
      } else {
      }
      %dma_wait3A_218 = arith.constant 0 : i32
      %dma_wait3A_219 = arith.constant 0 : i32
      %dma_wait3A_220 = arith.constant 0 : i32
      %dma_wait3A_221 = tpu.memref_slice %arg7[%rem3A_195, %dma_wait3A_219, %dma_wait3A_220] : memref<6x128x128xf32, #tpu.memory_space<vmem>> -> memref<1x128x128xf32, #tpu.memory_space<vmem>>
      %dma_wait3A_222 = tpu.memref_squeeze %dma_wait3A_221 : memref<1x128x128xf32, #tpu.memory_space<vmem>> -> memref<128x128xf32, #tpu.memory_space<vmem>>
      %dma_wait3A_223 = arith.constant 0 : i32
      %dma_wait3A_224 = tpu.memref_slice %arg6[%dma_wait3A_218, %dma_wait3A_223] : memref<50x128xi32, #tpu.memory_space<vmem>> -> memref<1x128xi32, #tpu.memory_space<vmem>>
      %dma_wait3A_225 = tpu.memref_squeeze %dma_wait3A_224 : memref<1x128xi32, #tpu.memory_space<vmem>> -> memref<128xi32, #tpu.memory_space<vmem>>
      %dma_wait3A_226 = arith.constant 0 : i32
      %dma_wait3A_227 = arith.constant 0 : i32
      %dma_wait3A_228 = tpu.memref_slice %arg3[%dma_wait3A_226, %dma_wait3A_227] : memref<100000x128xf32, #tpu.memory_space<hbm>> -> memref<100000x128xf32, #tpu.memory_space<hbm>>
      %dma_wait3A_229 = tpu.memref_slice %arg10[%rem3A_195] : memref<6x!tpu.dma_semaphore, #tpu.memory_space<semaphore_mem>> -> memref<1x!tpu.dma_semaphore, #tpu.memory_space<semaphore_mem>>
      %dma_wait3A_230 = tpu.memref_squeeze %dma_wait3A_229 : memref<1x!tpu.dma_semaphore, #tpu.memory_space<semaphore_mem>> -> memref<!tpu.dma_semaphore, #tpu.memory_space<semaphore_mem>>
      tpu.wait_indirect_dma semaphore(%dma_wait3A_230 : memref<!tpu.dma_semaphore, #tpu.memory_space<semaphore_mem>>) src(%dma_wait3A_228 : memref<100000x128xf32, #tpu.memory_space<hbm>>) dst(%dma_wait3A_222 : memref<128x128xf32, #tpu.memory_space<vmem>>)
      %add3A_231 = arith.addi %mul3A_2, %scan3A_193 : i32
      %mul3A_232 = arith.constant 128 : i32
      %mul3A_233 = arith.muli %add3A_231, %mul3A_232 : i32
      %dma_start3A_234 = arith.constant 0 : i32
      %dma_start3A_235 = arith.constant 0 : i32
      %dma_start3A_236 = tpu.memref_slice %arg7[%rem3A_195, %dma_start3A_234, %dma_start3A_235] : memref<6x128x128xf32, #tpu.memory_space<vmem>> -> memref<1x128x128xf32, #tpu.memory_space<vmem>>
      %dma_start3A_237 = tpu.memref_squeeze %dma_start3A_236 : memref<1x128x128xf32, #tpu.memory_space<vmem>> -> memref<128x128xf32, #tpu.memory_space<vmem>>
      %dma_start3A_238 = arith.constant 0 : i32
      %dma_start3A_239 = tpu.memref_slice %arg5[%mul3A_233, %dma_start3A_238] : memref<204800x128xf32, #tpu.memory_space<hbm>> -> memref<128x128xf32, #tpu.memory_space<hbm>>
      %dma_start3A_240 = tpu.memref_slice %arg11[%rem3A_195] : memref<6x!tpu.dma_semaphore, #tpu.memory_space<semaphore_mem>> -> memref<1x!tpu.dma_semaphore, #tpu.memory_space<semaphore_mem>>
      %dma_start3A_241 = tpu.memref_squeeze %dma_start3A_240 : memref<1x!tpu.dma_semaphore, #tpu.memory_space<semaphore_mem>> -> memref<!tpu.dma_semaphore, #tpu.memory_space<semaphore_mem>>
      %dma_start3A_242 = arith.constant 0 : i32
      %dma_start3A_243 = tpu.memref_slice %arg5[%mul3A_233, %dma_start3A_242] : memref<204800x128xf32, #tpu.memory_space<hbm>> -> memref<128x128xf32, #tpu.memory_space<hbm>>
      %dma_start3A_244 = arith.constant 0 : i32
      %dma_start3A_245 = arith.constant 0 : i32
      %dma_start3A_246 = tpu.memref_slice %arg7[%rem3A_195, %dma_start3A_244, %dma_start3A_245] : memref<6x128x128xf32, #tpu.memory_space<vmem>> -> memref<1x128x128xf32, #tpu.memory_space<vmem>>
      %dma_start3A_247 = tpu.memref_squeeze %dma_start3A_246 : memref<1x128x128xf32, #tpu.memory_space<vmem>> -> memref<128x128xf32, #tpu.memory_space<vmem>>
      tpu.enqueue_dma source(%dma_start3A_247 : memref<128x128xf32, #tpu.memory_space<vmem>>) target(%dma_start3A_243 : memref<128x128xf32, #tpu.memory_space<hbm>>) target_semaphore(%dma_start3A_241 : memref<!tpu.dma_semaphore, #tpu.memory_space<semaphore_mem>>)
    }
    %scan3A_84 = arith.constant 50 : i32
    %dma_wait3A_85 = arith.constant 0 : i32
    %dma_wait3A_86 = arith.constant 0 : i32
    %dma_wait3A_87 = arith.constant 0 : i32
    %dma_wait3A_88 = arith.constant 0 : i32
    %dma_wait3A_89 = tpu.memref_slice %arg7[%dma_wait3A_85, %dma_wait3A_87, %dma_wait3A_88] : memref<6x128x128xf32, #tpu.memory_space<vmem>> -> memref<1x128x128xf32, #tpu.memory_space<vmem>>
    %dma_wait3A_90 = tpu.memref_squeeze %dma_wait3A_89 : memref<1x128x128xf32, #tpu.memory_space<vmem>> -> memref<128x128xf32, #tpu.memory_space<vmem>>
    %dma_wait3A_91 = arith.constant 0 : i32
    %dma_wait3A_92 = arith.constant 0 : i32
    %dma_wait3A_93 = tpu.memref_slice %arg5[%dma_wait3A_91, %dma_wait3A_92] : memref<204800x128xf32, #tpu.memory_space<hbm>> -> memref<128x128xf32, #tpu.memory_space<hbm>>
    %dma_wait3A_94 = tpu.memref_slice %arg11[%dma_wait3A_86] : memref<6x!tpu.dma_semaphore, #tpu.memory_space<semaphore_mem>> -> memref<1x!tpu.dma_semaphore, #tpu.memory_space<semaphore_mem>>
    %dma_wait3A_95 = tpu.memref_squeeze %dma_wait3A_94 : memref<1x!tpu.dma_semaphore, #tpu.memory_space<semaphore_mem>> -> memref<!tpu.dma_semaphore, #tpu.memory_space<semaphore_mem>>
    %dma_wait3A_96 = arith.constant 0 : i32
    %dma_wait3A_97 = arith.constant 0 : i32
    %dma_wait3A_98 = tpu.memref_slice %arg5[%dma_wait3A_96, %dma_wait3A_97] : memref<204800x128xf32, #tpu.memory_space<hbm>> -> memref<128x128xf32, #tpu.memory_space<hbm>>
    %dma_wait3A_99 = arith.constant 0 : i32
    %dma_wait3A_100 = arith.constant 0 : i32
    %dma_wait3A_101 = tpu.memref_slice %arg7[%dma_wait3A_85, %dma_wait3A_99, %dma_wait3A_100] : memref<6x128x128xf32, #tpu.memory_space<vmem>> -> memref<1x128x128xf32, #tpu.memory_space<vmem>>
    %dma_wait3A_102 = tpu.memref_squeeze %dma_wait3A_101 : memref<1x128x128xf32, #tpu.memory_space<vmem>> -> memref<128x128xf32, #tpu.memory_space<vmem>>
    tpu.wait_dma2 semaphore(%dma_wait3A_95 : memref<!tpu.dma_semaphore, #tpu.memory_space<semaphore_mem>>) src(%dma_wait3A_102 : memref<128x128xf32, #tpu.memory_space<vmem>>) dst(%dma_wait3A_98 : memref<128x128xf32, #tpu.memory_space<hbm>>)
    %dma_wait3A_103 = arith.constant 1 : i32
    %dma_wait3A_104 = arith.constant 1 : i32
    %dma_wait3A_105 = arith.constant 0 : i32
    %dma_wait3A_106 = arith.constant 0 : i32
    %dma_wait3A_107 = tpu.memref_slice %arg7[%dma_wait3A_103, %dma_wait3A_105, %dma_wait3A_106] : memref<6x128x128xf32, #tpu.memory_space<vmem>> -> memref<1x128x128xf32, #tpu.memory_space<vmem>>
    %dma_wait3A_108 = tpu.memref_squeeze %dma_wait3A_107 : memref<1x128x128xf32, #tpu.memory_space<vmem>> -> memref<128x128xf32, #tpu.memory_space<vmem>>
    %dma_wait3A_109 = arith.constant 0 : i32
    %dma_wait3A_110 = arith.constant 0 : i32
    %dma_wait3A_111 = tpu.memref_slice %arg5[%dma_wait3A_109, %dma_wait3A_110] : memref<204800x128xf32, #tpu.memory_space<hbm>> -> memref<128x128xf32, #tpu.memory_space<hbm>>
    %dma_wait3A_112 = tpu.memref_slice %arg11[%dma_wait3A_104] : memref<6x!tpu.dma_semaphore, #tpu.memory_space<semaphore_mem>> -> memref<1x!tpu.dma_semaphore, #tpu.memory_space<semaphore_mem>>
    %dma_wait3A_113 = tpu.memref_squeeze %dma_wait3A_112 : memref<1x!tpu.dma_semaphore, #tpu.memory_space<semaphore_mem>> -> memref<!tpu.dma_semaphore, #tpu.memory_space<semaphore_mem>>
    %dma_wait3A_114 = arith.constant 0 : i32
    %dma_wait3A_115 = arith.constant 0 : i32
    %dma_wait3A_116 = tpu.memref_slice %arg5[%dma_wait3A_114, %dma_wait3A_115] : memref<204800x128xf32, #tpu.memory_space<hbm>> -> memref<128x128xf32, #tpu.memory_space<hbm>>
    %dma_wait3A_117 = arith.constant 0 : i32
    %dma_wait3A_118 = arith.constant 0 : i32
    %dma_wait3A_119 = tpu.memref_slice %arg7[%dma_wait3A_103, %dma_wait3A_117, %dma_wait3A_118] : memref<6x128x128xf32, #tpu.memory_space<vmem>> -> memref<1x128x128xf32, #tpu.memory_space<vmem>>
    %dma_wait3A_120 = tpu.memref_squeeze %dma_wait3A_119 : memref<1x128x128xf32, #tpu.memory_space<vmem>> -> memref<128x128xf32, #tpu.memory_space<vmem>>
    tpu.wait_dma2 semaphore(%dma_wait3A_113 : memref<!tpu.dma_semaphore, #tpu.memory_space<semaphore_mem>>) src(%dma_wait3A_120 : memref<128x128xf32, #tpu.memory_space<vmem>>) dst(%dma_wait3A_116 : memref<128x128xf32, #tpu.memory_space<hbm>>)
    %dma_wait3A_121 = arith.constant 2 : i32
    %dma_wait3A_122 = arith.constant 2 : i32
    %dma_wait3A_123 = arith.constant 0 : i32
    %dma_wait3A_124 = arith.constant 0 : i32
    %dma_wait3A_125 = tpu.memref_slice %arg7[%dma_wait3A_121, %dma_wait3A_123, %dma_wait3A_124] : memref<6x128x128xf32, #tpu.memory_space<vmem>> -> memref<1x128x128xf32, #tpu.memory_space<vmem>>
    %dma_wait3A_126 = tpu.memref_squeeze %dma_wait3A_125 : memref<1x128x128xf32, #tpu.memory_space<vmem>> -> memref<128x128xf32, #tpu.memory_space<vmem>>
    %dma_wait3A_127 = arith.constant 0 : i32
    %dma_wait3A_128 = arith.constant 0 : i32
    %dma_wait3A_129 = tpu.memref_slice %arg5[%dma_wait3A_127, %dma_wait3A_128] : memref<204800x128xf32, #tpu.memory_space<hbm>> -> memref<128x128xf32, #tpu.memory_space<hbm>>
    %dma_wait3A_130 = tpu.memref_slice %arg11[%dma_wait3A_122] : memref<6x!tpu.dma_semaphore, #tpu.memory_space<semaphore_mem>> -> memref<1x!tpu.dma_semaphore, #tpu.memory_space<semaphore_mem>>
    %dma_wait3A_131 = tpu.memref_squeeze %dma_wait3A_130 : memref<1x!tpu.dma_semaphore, #tpu.memory_space<semaphore_mem>> -> memref<!tpu.dma_semaphore, #tpu.memory_space<semaphore_mem>>
    %dma_wait3A_132 = arith.constant 0 : i32
    %dma_wait3A_133 = arith.constant 0 : i32
    %dma_wait3A_134 = tpu.memref_slice %arg5[%dma_wait3A_132, %dma_wait3A_133] : memref<204800x128xf32, #tpu.memory_space<hbm>> -> memref<128x128xf32, #tpu.memory_space<hbm>>
    %dma_wait3A_135 = arith.constant 0 : i32
    %dma_wait3A_136 = arith.constant 0 : i32
    %dma_wait3A_137 = tpu.memref_slice %arg7[%dma_wait3A_121, %dma_wait3A_135, %dma_wait3A_136] : memref<6x128x128xf32, #tpu.memory_space<vmem>> -> memref<1x128x128xf32, #tpu.memory_space<vmem>>
    %dma_wait3A_138 = tpu.memref_squeeze %dma_wait3A_137 : memref<1x128x128xf32, #tpu.memory_space<vmem>> -> memref<128x128xf32, #tpu.memory_space<vmem>>
    tpu.wait_dma2 semaphore(%dma_wait3A_131 : memref<!tpu.dma_semaphore, #tpu.memory_space<semaphore_mem>>) src(%dma_wait3A_138 : memref<128x128xf32, #tpu.memory_space<vmem>>) dst(%dma_wait3A_134 : memref<128x128xf32, #tpu.memory_space<hbm>>)
    %dma_wait3A_139 = arith.constant 3 : i32
    %dma_wait3A_140 = arith.constant 3 : i32
    %dma_wait3A_141 = arith.constant 0 : i32
    %dma_wait3A_142 = arith.constant 0 : i32
    %dma_wait3A_143 = tpu.memref_slice %arg7[%dma_wait3A_139, %dma_wait3A_141, %dma_wait3A_142] : memref<6x128x128xf32, #tpu.memory_space<vmem>> -> memref<1x128x128xf32, #tpu.memory_space<vmem>>
    %dma_wait3A_144 = tpu.memref_squeeze %dma_wait3A_143 : memref<1x128x128xf32, #tpu.memory_space<vmem>> -> memref<128x128xf32, #tpu.memory_space<vmem>>
    %dma_wait3A_145 = arith.constant 0 : i32
    %dma_wait3A_146 = arith.constant 0 : i32
    %dma_wait3A_147 = tpu.memref_slice %arg5[%dma_wait3A_145, %dma_wait3A_146] : memref<204800x128xf32, #tpu.memory_space<hbm>> -> memref<128x128xf32, #tpu.memory_space<hbm>>
    %dma_wait3A_148 = tpu.memref_slice %arg11[%dma_wait3A_140] : memref<6x!tpu.dma_semaphore, #tpu.memory_space<semaphore_mem>> -> memref<1x!tpu.dma_semaphore, #tpu.memory_space<semaphore_mem>>
    %dma_wait3A_149 = tpu.memref_squeeze %dma_wait3A_148 : memref<1x!tpu.dma_semaphore, #tpu.memory_space<semaphore_mem>> -> memref<!tpu.dma_semaphore, #tpu.memory_space<semaphore_mem>>
    %dma_wait3A_150 = arith.constant 0 : i32
    %dma_wait3A_151 = arith.constant 0 : i32
    %dma_wait3A_152 = tpu.memref_slice %arg5[%dma_wait3A_150, %dma_wait3A_151] : memref<204800x128xf32, #tpu.memory_space<hbm>> -> memref<128x128xf32, #tpu.memory_space<hbm>>
    %dma_wait3A_153 = arith.constant 0 : i32
    %dma_wait3A_154 = arith.constant 0 : i32
    %dma_wait3A_155 = tpu.memref_slice %arg7[%dma_wait3A_139, %dma_wait3A_153, %dma_wait3A_154] : memref<6x128x128xf32, #tpu.memory_space<vmem>> -> memref<1x128x128xf32, #tpu.memory_space<vmem>>
    %dma_wait3A_156 = tpu.memref_squeeze %dma_wait3A_155 : memref<1x128x128xf32, #tpu.memory_space<vmem>> -> memref<128x128xf32, #tpu.memory_space<vmem>>
    tpu.wait_dma2 semaphore(%dma_wait3A_149 : memref<!tpu.dma_semaphore, #tpu.memory_space<semaphore_mem>>) src(%dma_wait3A_156 : memref<128x128xf32, #tpu.memory_space<vmem>>) dst(%dma_wait3A_152 : memref<128x128xf32, #tpu.memory_space<hbm>>)
    %dma_wait3A_157 = arith.constant 4 : i32
    %dma_wait3A_158 = arith.constant 4 : i32
    %dma_wait3A_159 = arith.constant 0 : i32
    %dma_wait3A_160 = arith.constant 0 : i32
    %dma_wait3A_161 = tpu.memref_slice %arg7[%dma_wait3A_157, %dma_wait3A_159, %dma_wait3A_160] : memref<6x128x128xf32, #tpu.memory_space<vmem>> -> memref<1x128x128xf32, #tpu.memory_space<vmem>>
    %dma_wait3A_162 = tpu.memref_squeeze %dma_wait3A_161 : memref<1x128x128xf32, #tpu.memory_space<vmem>> -> memref<128x128xf32, #tpu.memory_space<vmem>>
    %dma_wait3A_163 = arith.constant 0 : i32
    %dma_wait3A_164 = arith.constant 0 : i32
    %dma_wait3A_165 = tpu.memref_slice %arg5[%dma_wait3A_163, %dma_wait3A_164] : memref<204800x128xf32, #tpu.memory_space<hbm>> -> memref<128x128xf32, #tpu.memory_space<hbm>>
    %dma_wait3A_166 = tpu.memref_slice %arg11[%dma_wait3A_158] : memref<6x!tpu.dma_semaphore, #tpu.memory_space<semaphore_mem>> -> memref<1x!tpu.dma_semaphore, #tpu.memory_space<semaphore_mem>>
    %dma_wait3A_167 = tpu.memref_squeeze %dma_wait3A_166 : memref<1x!tpu.dma_semaphore, #tpu.memory_space<semaphore_mem>> -> memref<!tpu.dma_semaphore, #tpu.memory_space<semaphore_mem>>
    %dma_wait3A_168 = arith.constant 0 : i32
    %dma_wait3A_169 = arith.constant 0 : i32
    %dma_wait3A_170 = tpu.memref_slice %arg5[%dma_wait3A_168, %dma_wait3A_169] : memref<204800x128xf32, #tpu.memory_space<hbm>> -> memref<128x128xf32, #tpu.memory_space<hbm>>
    %dma_wait3A_171 = arith.constant 0 : i32
    %dma_wait3A_172 = arith.constant 0 : i32
    %dma_wait3A_173 = tpu.memref_slice %arg7[%dma_wait3A_157, %dma_wait3A_171, %dma_wait3A_172] : memref<6x128x128xf32, #tpu.memory_space<vmem>> -> memref<1x128x128xf32, #tpu.memory_space<vmem>>
    %dma_wait3A_174 = tpu.memref_squeeze %dma_wait3A_173 : memref<1x128x128xf32, #tpu.memory_space<vmem>> -> memref<128x128xf32, #tpu.memory_space<vmem>>
    tpu.wait_dma2 semaphore(%dma_wait3A_167 : memref<!tpu.dma_semaphore, #tpu.memory_space<semaphore_mem>>) src(%dma_wait3A_174 : memref<128x128xf32, #tpu.memory_space<vmem>>) dst(%dma_wait3A_170 : memref<128x128xf32, #tpu.memory_space<hbm>>)
    %dma_wait3A_175 = arith.constant 5 : i32
    %dma_wait3A_176 = arith.constant 5 : i32
    %dma_wait3A_177 = arith.constant 0 : i32
    %dma_wait3A_178 = arith.constant 0 : i32
    %dma_wait3A_179 = tpu.memref_slice %arg7[%dma_wait3A_175, %dma_wait3A_177, %dma_wait3A_178] : memref<6x128x128xf32, #tpu.memory_space<vmem>> -> memref<1x128x128xf32, #tpu.memory_space<vmem>>
    %dma_wait3A_180 = tpu.memref_squeeze %dma_wait3A_179 : memref<1x128x128xf32, #tpu.memory_space<vmem>> -> memref<128x128xf32, #tpu.memory_space<vmem>>
    %dma_wait3A_181 = arith.constant 0 : i32
    %dma_wait3A_182 = arith.constant 0 : i32
    %dma_wait3A_183 = tpu.memref_slice %arg5[%dma_wait3A_181, %dma_wait3A_182] : memref<204800x128xf32, #tpu.memory_space<hbm>> -> memref<128x128xf32, #tpu.memory_space<hbm>>
    %dma_wait3A_184 = tpu.memref_slice %arg11[%dma_wait3A_176] : memref<6x!tpu.dma_semaphore, #tpu.memory_space<semaphore_mem>> -> memref<1x!tpu.dma_semaphore, #tpu.memory_space<semaphore_mem>>
    %dma_wait3A_185 = tpu.memref_squeeze %dma_wait3A_184 : memref<1x!tpu.dma_semaphore, #tpu.memory_space<semaphore_mem>> -> memref<!tpu.dma_semaphore, #tpu.memory_space<semaphore_mem>>
    %dma_wait3A_186 = arith.constant 0 : i32
    %dma_wait3A_187 = arith.constant 0 : i32
    %dma_wait3A_188 = tpu.memref_slice %arg5[%dma_wait3A_186, %dma_wait3A_187] : memref<204800x128xf32, #tpu.memory_space<hbm>> -> memref<128x128xf32, #tpu.memory_space<hbm>>
    %dma_wait3A_189 = arith.constant 0 : i32
    %dma_wait3A_190 = arith.constant 0 : i32
    %dma_wait3A_191 = tpu.memref_slice %arg7[%dma_wait3A_175, %dma_wait3A_189, %dma_wait3A_190] : memref<6x128x128xf32, #tpu.memory_space<vmem>> -> memref<1x128x128xf32, #tpu.memory_space<vmem>>
    %dma_wait3A_192 = tpu.memref_squeeze %dma_wait3A_191 : memref<1x128x128xf32, #tpu.memory_space<vmem>> -> memref<128x128xf32, #tpu.memory_space<vmem>>
    tpu.wait_dma2 semaphore(%dma_wait3A_185 : memref<!tpu.dma_semaphore, #tpu.memory_space<semaphore_mem>>) src(%dma_wait3A_192 : memref<128x128xf32, #tpu.memory_space<vmem>>) dst(%dma_wait3A_188 : memref<128x128xf32, #tpu.memory_space<hbm>>)
    return
  }
}

</mosaic_0001>

<sc_bundles>
// kernel: kernel.3.cloned.1.call-start
scs
__scs_entry_jumppad:
0x0: {  	(pc) =	sbr.rel $0x88, $3  }
0x1: {  	(tag) =	ssettag $0x0;
	lr =	simm.s32 $0x1  }
0x2: {  	[smem:$0x3F9E] =	sst lr;
	_ =	strace $0xD0000000  }
0x3: {  	_ = 	snop  }
0x4: {  	_ = 	snop  }
0x5: {  	_ = 	snop  }
0x6: {  	_ = 	snop  }
0x7: {  	_ = 	snop  }
__scs_overlays_trampoline_lowered:
0x8: {  	[smem:$0x3FAD] =	sst s0  }
0x9: {  	[smem:$0x3FAE] =	sst s1  }
0xa: {  	[smem:$0x3FAF] =	sst s2  }
0xb: {  	[smem:$0x3FB0] =	sst s3  }
0xc: {  	[smem:$0x3FB1] =	sst s4  }
0xd: {  	[smem:$0x3FB2] =	sst s5  }
0xe: {  	[smem:$0x3FB3] =	sst s6  }
0xf: {  	[smem:$0x3FB4] =	sst s7  }
0x10: {  	[smem:$0x3FB5] =	sst s8  }
0x11: {  	[smem:$0x3FB6] =	sst s9;
	s0 =	simm.s32 @!p0 $0x0  }
0x12: {  	s1 =	sld [smem:$0x3F9C];
	s0 =	simm.s32 @p0 $0x1  }
0x13: {  	[smem:$0x3FB7] =	sst s0;
	s0 =	simm.s32 @!p1 $0x0  }
0x14: {  	s2 =	sld [smem:$0x3F9B];
	s0 =	simm.s32 @p1 $0x1  }
0x15: {  	[smem:$0x3FB8] =	sst s0;
	s0 =	simm.s32 @!p2 $0x0  }
0x16: {  	s3 =	sld [smem:$0x3FDB];
	s0 =	simm.s32 @p2 $0x1  }
0x17: {  	s4 =	simm.s32 $0x1BF5;
	[smem:$0x3FBA] =	sst s0  }
0x18: {  	s0 =	sld [smem:$0x3F9D];
	_ =	swait.ge [sflag:s4], $0x0  }
0x19: {  	s7 =	sld [smem:$0x3F9E]  }
0x1a: {  	s8 =	sadd.s32 $0xFFFFE003, lr  }
0x1b: {  	s9 =	sadd.s32 $0xFFFFFEF7, lr;
	s5 =	simm.s32 $0xFFFFFFFF;
	p2 =	slt.u32 s8, $0xFFFFF086  }
0x1c: {  	p1 =	slt.u32 s9, $0xF7A;
	s5 =	simm.s32 @!p2 $0x0  }
0x1d: {  	s5 =	simm.s32 @p1 $0x1;
	p0 =	seq.s32 s7, s2  }
0x1e: {  	s7 =	smul.u32 @!p0 $0xF7A, s2;
	p2 =	seq.s32 @!p0 s5, $0x0  }
0x1f: {  	s9 =	smul.u32 $0xF7A, s1;
	s8 =	simm.s32 @!p0 $0x1BF5;
	p2 =	por !p2, p0  }
0x20: {  	[sflag:s8] =	ssyncset.s32 @!p0 $0xFFFFF086;
	s6 =	sadd.s32 @!p0 s3, s7;
	s7 =	simm.s32 @!p0 $0x108  }
0x21: {  	s3 =	sadd.s32 s3, s9;
	s6 =	sadd.s32 @!p0 $0x88, s6;
	s7 =	simm.s32 @p2 $0x1082  }
0x22: {  	[simem:s7], [sflag:s8] =	dma.local @!p0 [hbm:s6], $0xF7A  }
0x23: {  	s9 =	sor.u32 $0xD0000000, s2;
	s6 =	simm.s32 $0x108;
	_ =	swait.ge @!p0 [sflag:s8], $0x0  }
0x24: {  	s3 =	sadd.s32 $0x88, s3;
	s6 =	simm.s32 @!p1 $0x1082;
	[sflag:s4] =	ssyncset.s32 $0xFFFFF086  }
0x25: {  	[simem:s6], [sflag:s4] =	dma.local [hbm:s3], $0xF7A  }
0x26: {  	[smem:$0x3F9E] =	sst s1;
	(tag) =	ssettag s2;
	_ =	strace s9  }
0x27: {  	s1 =	sld [smem:$0x3FAE]  }
0x28: {  	s2 =	sld [smem:$0x3FAF]  }
0x29: {  	s4 =	sld [smem:$0x3FB1]  }
0x2a: {  	p0 =	seq.s32 s5, $0x0;
	s5 =	sld [smem:$0x3FB2]  }
0x2b: {  	s6 =	sld [smem:$0x3FB3]  }
0x2c: {  	s7 =	sld [smem:$0x3FB4]  }
0x2d: {  	s3 =	simm.s32 $0x108;
	s8 =	sld [smem:$0x3FB5]  }
0x2e: {  	s3 =	simm.s32 @!p0 $0x1082;
	s9 =	sld [smem:$0x3FB6]  }
0x2f: {  	lr =	sadd.s32 s0, s3;
	s0 =	sld [smem:$0x3FAD]  }
0x30: {  	s3 =	sld [smem:$0x3FB0]  }
0x31: {  	[smem:$0x3FB9] =	sst s10  }
0x32: {  	s10 =	sld [smem:$0x3FB7];
	_ =	sdelay $0x3  }
0x33: {  	p0 =	seq.s32 s10, $0x1;
	s10 =	sld [smem:$0x3FB9];
	_ =	sdelay $0x3  }
0x34: {  	[smem:$0x3FB9] =	sst s10  }
0x35: {  	s10 =	sld [smem:$0x3FB8];
	_ =	sdelay $0x3  }
0x36: {  	p1 =	seq.s32 s10, $0x1;
	s10 =	sld [smem:$0x3FB9];
	_ =	sdelay $0x3  }
0x37: {  	[smem:$0x3FB9] =	sst s10  }
0x38: {  	s10 =	sld [smem:$0x3FBA]  }
0x39: {  	_ = 	snop;
	(pc) =	sbr.ind lr, $3  }
0x3a: {  	_ = 	snop  }
0x3b: {  	_ = 	snop  }
0x3c: {  	p2 =	seq.s32 s10, $0x1;
	s10 =	sld [smem:$0x3FB9]  }
0x3d: {  	_ =	shalt  }
0x3e: {  	_ =	shalt  }
0x3f: {  	_ =	shalt  }
0x40: {  	_ =	shalt  }
0x41: {  	_ =	shalt  }
0x42: {  	_ =	shalt  }
0x43: {  	_ =	shalt  }
0x44: {  	_ =	shalt  }
0x45: {  	_ =	shalt  }
0x46: {  	_ =	shalt  }
0x47: {  	_ =	shalt  }
0x48: {  	_ =	shalt  }
0x49: {  	_ =	shalt  }
0x4a: {  	_ =	shalt  }
0x4b: {  	_ =	shalt  }
0x4c: {  	_ =	shalt  }
0x4d: {  	_ =	shalt  }
0x4e: {  	_ =	shalt  }
0x4f: {  	_ =	shalt  }
0x50: {  	_ =	shalt  }
0x51: {  	_ =	shalt  }
0x52: {  	_ =	shalt  }
0x53: {  	_ =	shalt  }
0x54: {  	_ =	shalt  }
0x55: {  	_ =	shalt  }
0x56: {  	_ =	shalt  }
0x57: {  	_ =	shalt  }
0x58: {  	_ =	shalt  }
0x59: {  	_ =	shalt  }
0x5a: {  	_ =	shalt  }
0x5b: {  	_ =	shalt  }
0x5c: {  	_ =	shalt  }
0x5d: {  	_ =	shalt  }
0x5e: {  	_ =	shalt  }
0x5f: {  	_ =	shalt  }
0x60: {  	_ =	shalt  }
0x61: {  	_ =	shalt  }
0x62: {  	_ =	shalt  }
0x63: {  	_ =	shalt  }
0x64: {  	_ =	shalt  }
0x65: {  	_ =	shalt  }
0x66: {  	_ =	shalt  }
0x67: {  	_ =	shalt  }
0x68: {  	_ =	shalt  }
0x69: {  	_ =	shalt  }
0x6a: {  	_ =	shalt  }
0x6b: {  	_ =	shalt  }
0x6c: {  	_ =	shalt  }
0x6d: {  	_ =	shalt  }
0x6e: {  	_ =	shalt  }
0x6f: {  	_ =	shalt  }
0x70: {  	_ =	shalt  }
0x71: {  	_ =	shalt  }
0x72: {  	_ =	shalt  }
0x73: {  	_ =	shalt  }
0x74: {  	_ =	shalt  }
0x75: {  	_ =	shalt  }
0x76: {  	_ =	shalt  }
0x77: {  	_ =	shalt  }
0x78: {  	_ =	shalt  }
0x79: {  	_ =	shalt  }
0x7a: {  	_ =	shalt  }
0x7b: {  	_ =	shalt  }
0x7c: {  	_ =	shalt  }
0x7d: {  	_ =	shalt  }
0x7e: {  	_ =	shalt  }
0x7f: {  	_ =	shalt  }
0x80: {  	_ =	shalt  }
0x81: {  	_ =	shalt  }
0x82: {  	_ =	shalt  }
0x83: {  	_ =	shalt  }
0x84: {  	_ =	shalt  }
0x85: {  	_ =	shalt  }
0x86: {  	_ =	shalt  }
0x87: {  	_ =	shalt  }
.Lfunc_end0:
.L_simem_size_0:
called_computation_lowered:
.L_overlay_start_0:
0x88: {  	s2 =	sld [smem:$0x3FD9]  }
0x89: {  	s3 =	sld [smem:$0x3FFE];
	_ =	sdelay $0x1  }
0x8a: {  	s1 =	srdreg.scid  }
0x8b: {  	s0 =	sand.u32 $0x1, s1  }
0x8c: {  	s17 =	sshll.u32 s0, $0xA;
	s2 =	sadd.s32 s3, s2  }
0x8d: {  	s2 =	sadd.s32 s2, s17  }
0x8e: {  	[smem:$0x3FC5] =	sst s2  }
0x8f: {  	_ = 	snop  }
0x90: {  	s2 =	sld [smem:$0x3FC8]  }
0x91: {  	s18 =	sld [smem:$0x3FC7]  }
0x92: {  	s4 =	sld [smem:$0x3FD0];
	(tm) =	ssettm $0x1  }
0x93: {  	s5 =	sld [smem:$0x3FFB];
	_ =	sdelay $0x3  }
0x94: {  	_ =	strace s5  }
0x95: {  	s5 =	sld [smem:$0x3FFC];
	_ =	sdelay $0x3  }
0x96: {  	_ =	strace s5  }
0x97: {  	s5 =	sld [smem:$0x3FFD];
	_ =	sdelay $0x3  }
0x98: {  	_ =	strace s5  }
0x99: {  	_ =	strace $0x8FFFFFFF  }
0x9a: {  	s19 =	sld [smem:$0x3FDB];
	_ =	sdelay $0x1  }
0x9b: {  	s6 =	simm.s32 $_scs_section_size  }
0x9c: {  	s7 =	simm.s32 $_size__tile_overlayer_lowered;
	s8 =	simm.s32 $_tile_overlayer_lowered  }
0x9d: {  	s22 =	simm.s32 $0x1BFF;
	s21 =	sshll.u32 s8, $0x1;
	s5 =	sadd.s32 s6, s19  }
0x9e: {  	s9 =	simm.s32 $0x0;
	s20 =	sshll.u32 s7, $0x1;
	s7 =	sadd.s32 s21, s5  }
0x9f: {  	[timem:s9], [sflag:s22] =	dma.local [hbm:s7], s20  }
0xa0: {  	_ =	swait.ge [sflag:s22], s20  }
0xa1: {  	s6 =	ssub.s32 $0x0, s20;
	[sflag:s22] =	ssyncset.done $0x0  }
0xa2: {  	[sflag:s22] =	ssyncadd.s32 s6;
	_ =	sdelay $0x1  }
0xa3: {  	s23 =	simm.s32 $0x1B8B  }
0xa4: {  	_ =	swait.ge [sflag:s23], $0x1  }
0xa5: {  	[sflag:s23] =	ssyncset.done $0x0  }
0xa6: {  	s25 =	simm.s32 $0x1B8E;
	s24 =	sld [smem:$0x3FFE];
	[sflag:s23] =	ssyncadd.s32 $0xFFFFFFFF  }
0xa7: {  	s26 =	simm.s32 $execute0_lowered;
	[smem:$0x3FD2] =	sst s25  }
0xa8: {  	s7 =	sshll.u32 s26, $0x1;
	_ =	strace $0x80000046;
	[dreg:$0x1] =	wrdreg $0xFFFFFFFF  }
0xa9: {  	s28 =	simm.s32 $_size_execute0_lowered;
	s5 =	sadd.s32 s5, s7;
	[dreg:$0x0] =	wrdreg $0x0  }
0xaa: {  	s7 =	sshll.u32 s28, $0x1;
	[dreg:$0x2] =	wrdreg s5  }
0xab: {  	[dreg:$0x3] =	wrdreg s7  }
0xac: {  	[dreg:$0x4] =	wrdreg $0xC0  }
0xad: {  	_ =	task [dreg:s9], $0x5FFFF  }
0xae: {  	[dreg:$0x1] =	wrdreg $0xFFFFFFFF  }
0xaf: {  	[dreg:$0x0] =	wrdreg $0x60  }
0xb0: {  	[dreg:$0x2] =	wrdreg s24  }
0xb1: {  	[dreg:$0x3] =	wrdreg s2  }
0xb2: {  	[dreg:$0x4] =	wrdreg s18  }
0xb3: {  	[dreg:$0x5] =	wrdreg s4  }
0xb4: {  	[dreg:$0x6] =	wrdreg $0x19C000  }
0xb5: {  	[dreg:$0x7] =	wrdreg $0x9  }
0xb6: {  	_ =	task.clear_ibuf [dreg:s9], $0x8FFFF;
	_ =	strace $0x90000046  }
0xb7: {  	s29 =	simm.s32 $0x9;
	_ =	strace $0x80000048  }
0xb8: {  	_ =	swait.ge [sflag:s29], $0x1  }
0xb9: {  	[sflag:s29] =	ssyncadd.s32 $0xFFFFFFFF  }
0xba: {  	_ =	strace $0x90000048  }
0xbb: {  	_ =	sfence  }
0xbc: {  	s30 =	sld [smem:$0x0];
	_ =	sdelay $0x2  }
0xbd: {  	s31 =	sshll.u32 s1, $0xD;
	s1 =	sshrl.u32 s1, $0x2  }
0xbe: {  	s3 =	sand.u32 $0x4000, s31;
	s1 =	sadd.s32 s1, s30  }
0xbf: {  	s0 =	sor.u32 s3, s0;
	s1 =	sshll.u32 s1, $0x11  }
0xc0: {  	s0 =	sor.u32 s1, s0  }
0xc1: {  	s0 =	sadd.s32 $0x8F2B, s0  }
0xc2: {  	[sflag:s0] =	ssyncadd.remote.s32 $0x1  }
0xc3: {  	_ =	sfence.sel $0xFFFF  }
0xc4: {  	[dreg:$0x0] =	wrdreg $0xFFFFFFFF;
	(pc) =	sbr.abs _section_cstart, $3  }
0xc5: {  	[dreg:$0x1] =	wrdreg $0xFFFFFFFF  }
0xc6: {  	_ =	task.clear_ibuf [dreg:s9], $0x2FFFF;
	_ =	strace $0x9FFFFFFF  }
0xc7: {  	(tm) =	ssettm $0x7FFFFFFF  }
tec
execute0_lowered:
.L_overlay_start_1:
0x0: {  	(tag) =	ssettag $0x1  }
0x1: {  	s0 =	rddreg [dreg:$0x0]  }
0x2: {  	s1 =	rddreg [dreg:$0x1]  }
0x3: {  	s2 =	srdreg.scid;
	s16 =	stileid.u32  }
0x4: {  	s4 =	rddreg [dreg:$0x2];
	s9 =	smul.u32 $0x5000, s16  }
0x5: {  	s3 =	rddreg [dreg:$0x3];
	s11 =	smul.u32 $0x280, s16  }
0x6: {  	s17 =	rddreg [dreg:$0x4];
	s18 =	simm.s32 $0x1;
	s12 =	smul.u32 $0x32000, s16  }
0x7: {  	s19 =	simm.s32 $0x80;
	s20 =	simm.s32 $0xD;
	s14 =	smul.u32 $0x640000, s16  }
0x8: {  	s21 =	simm.s32 $0xE;
	s2 =	sand.u32 $0x1, s2;
	s15 =	smul.u32 $0x64, s16  }
0x9: {  	s22 =	simm.s32 $0xF;
	s23 =	simm.s32 $0x10;
	s13 =	smul.u32 $0x19000, s2  }
0xa: {  	s24 =	simm.s32 $0x11;
	s5 =	sshll.u32 s16, $0x1;
	s29 =	smul.u32 $0x320000, s2  }
0xb: {  	s6 =	sor.u32 s2, s5;
	s10 =	ssub.s32 $0x2, s2;
	s2 =	smul.u32 $0x32, s2  }
0xc: {  	s25 =	simm.s32 $0x12;
	s26 =	simm.s32 $0x0;
	s7 =	smul.u32 $0x1900, s6  }
0xd: {  	p0 =	slt.u32 s16, $0x5;
	s5 =	simm.s32 $0x0;
	s6 =	smul.u32 $0x380, s6  }
0xe: {  	[smem:$0x7FF] =	sst s5;
	s28 =	sshrl.u32 s10, $0x1;
	s9 =	sshra.s32 s9, $0x2  }
0xf: {  	_ =	strace $0x80000047;
	s10 =	ssub.s32 s10, s28;
	s31 =	sadd.s32 s29, s14  }
0x10: {  	s2 =	sadd.s32 s2, s15;
	s7 =	sor.u32 $0x80, s7;
	s0 =	sadd.s32 s6, s0  }
0x11: {  	s2 =	sshll.u32 s2, $0x7;
	s8 =	smulhi.u32 $0x51EB851F, s7;
	s0 =	sadd.s32 $0x400, s0  }
0x12: {  	[dreg:$0x6] =	wrdreg s0;
	s0 =	sadd.s32 s9, s17;
	s9 =	sadd.s32 $0xFFFFF380, s11  }
0x13: {  	s8 =	sshrl.u32 s8, $0x6;
	s9 =	smov.u32 @p0 s11;
	p0 =	sgt.u32 s16, $0x9  }
0x14: {  	s8 =	smul.u32 $0xC8, s8;
	s4 =	sadd.s32 s4, s9;
	s9 =	smax.u32 s10, $0x1  }
.Ltmp0:
0x15: {  	s10 =	sadd.s32 s13, s12;
	s12 =	sadd.s32 $0x100, s2;
	(pc) =	sbr.rel .LBB2_1-.Ltmp0, $4  }
0x16: {  	s13 =	simm.s32 $0x13;
	[dreg:$0x7] =	wrdreg s4;
	s4 =	sadd.s32 $0x20000, s31  }
0x17: {  	s15 =	sshrl.u32 @!p0 s0, $0x3;
	s8 =	ssub.s32 s7, s8;
	s4 =	sshra.s32 s4, $0x2  }
0x18: {  	s30 =	sshll.u32 s8, $0x7;
	s11 =	sadd.s32 s4, s17;
	s4 =	sshll.u32 @!p0 s16, $0x6  }
0x19: {  	s16 =	simm.s32 $0x1C00;
	s8 =	sadd.s32 s30, s17;
	s14 =	sadd.s32 @!p0 $0x1C13, s4  }
.LBB2_7:
0x1a: {  	_ =	swait.ge [sflag:s20], $0x4000  }
0x1b: {  	[sflag:s20] =	ssyncset.done $0x0  }
0x1c: {  	[sflag:s20] =	ssyncadd.s32 $0xFFFFC000  }
0x1d: {  	_ =	swait.ge [sflag:s21], $0x4000  }
0x1e: {  	[sflag:s21] =	ssyncset.done $0x0  }
0x1f: {  	[sflag:s21] =	ssyncadd.s32 $0xFFFFC000  }
0x20: {  	_ =	swait.ge [sflag:s22], $0x4000  }
0x21: {  	[sflag:s22] =	ssyncset.done $0x0  }
0x22: {  	[sflag:s22] =	ssyncadd.s32 $0xFFFFC000  }
0x23: {  	_ =	swait.ge [sflag:s23], $0x4000  }
0x24: {  	[sflag:s23] =	ssyncset.done $0x0  }
0x25: {  	s26 =	sadd.s32 $0x1, s26;
	[sflag:s23] =	ssyncadd.s32 $0xFFFFC000  }
0x26: {  	p1 =	sne.s32 s26, s9;
	_ =	swait.ge [sflag:s24], $0x4000  }
.Ltmp1:
0x27: {  	[sflag:s24] =	ssyncset.done $0x0;
	(pc) =	sbr.rel @!p1 .LBB2_8-.Ltmp1, $4  }
0x28: {  	[sflag:s24] =	ssyncadd.s32 $0xFFFFC000  }
0x29: {  	_ =	swait.ge [sflag:s25], $0x4000  }
0x2a: {  	[sflag:s25] =	ssyncset.done $0x0  }
0x2b: {  	[sflag:s25] =	ssyncadd.s32 $0xFFFFC000  }
.LBB2_1:
0x2c: {  	s0 =	rddreg [dreg:$0x6]  }
0x2d: {  	[tilespmem:s5], [sflag:$0x13] =	stream.linear.gather [hbm4b:s0+s5], $0x1900, $0x38;
	[tilespmem:$0x1A880] =	vst v63  }
0x2e: {  	_ =	swait.ge [sflag:s13], $0x1900  }
0x2f: {  	[sflag:s13] =	ssyncset.done $0x0  }
0x30: {  	s0 =	rddreg [dreg:$0x7];
	[sflag:s13] =	ssyncadd.s32 $0xFFFFE700  }
0x31: {  	[spmem:s15], [sflag:s14] =	dma.local @!p0 [hbm:s0], $0x280  }
0x32: {  	s0 =	simm.s32 @!p0 $0x13  }
0x33: {  	_ =	swait.ge @!p0 [sflag:s0], $0x280  }
0x34: {  	[sflag:s0] =	ssyncset.done @!p0 $0x0  }
0x35: {  	[sflag:s0] =	ssyncadd.s32 @!p0 $0xFFFFFD80  }
0x36: {  	[bflag:$0x0] =	sbarrier.arrive $0xFFFF  }
0x37: {  	s7 =	rddreg [dreg:$0x4]  }
0x38: {  	[tilespmem:s16], [sflag:$0x1] =	stream.linear.gather [spmem:s7], $0x4000, $0x38;
	[tilespmem:$0x1A880] =	vst v63  }
0x39: {  	s17 =	simm.s32 $0x5C00  }
0x3a: {  	[tilespmem:s17], [sflag:$0x2] =	stream.linear.gather [spmem:s8], $0x4000, $0x38;
	[tilespmem:$0x1A880] =	vst v63  }
.Ltmp2:
0x3b: {  	_ = 	snop;
	(pc) =	sbr.rel .LBB2_2-.Ltmp2, $4  }
0x3c: {  	s28 =	simm.s32 $0x80;
	_ =	swait.ge [sflag:s18], $0x4000  }
0x3d: {  	s29 =	smov.u32 s12;
	s30 =	smov.u32 s11;
	[sflag:s18] =	ssyncset.done $0x0  }
0x3e: {  	s31 =	smov.u32 s10;
	s2 =	simm.s32 $0x0;
	[sflag:s18] =	ssyncadd.s32 $0xFFFFC000  }
0x3f: {  	[tilespmem:s16], [sflag:$0x7] =	stream.indirect.gather.add.f32 [hbm:s1], $0x80, s5, s19, $0xb8;
	[tilespmem:$0x1A880] =	vst v63  }
.LBB2_3:
0x40: {  	s17 =	sadd.s32 $0x156, s4  }
0x41: {  	s17 =	sshrl.u32 s17, $0xA  }
0x42: {  	s17 =	sand.u32 $0x3F, s17  }
0x43: {  	s17 =	smul.u32 $0x6, s17;
	_ =	sdelay $0x1  }
0x44: {  	s17 =	ssub.s32 s2, s17  }
0x45: {  	s6 =	smulhi.u32 $0x51EB851F, s29;
	s17 =	sadd.s32 $0x2, s17  }
0x46: {  	p1 =	slt.u32 s2, $0x4;
	s17 =	sand.u32 $0xFF, s17  }
0x47: {  	s6 =	sshrl.u32 s6, $0x6;
	s7 =	sadd.s32 @!p1 $0xD, s17  }
0x48: {  	s6 =	smul.u32 $0xFFFE7000, s6;
	_ =	swait.ge @!p1 [sflag:s7], $0x4000  }
0x49: {  	[sflag:s7] =	ssyncset.done @!p1 $0x0  }
0x4a: {  	s6 =	sshra.s32 s6, $0x2;
	[sflag:s7] =	ssyncadd.s32 @!p1 $0xFFFFC000;
	s7 =	sshll.u32 s17, $0xE  }
0x4b: {  	s6 =	sadd.s32 s6, s30;
	s17 =	sadd.s32 $0x1, s17;
	s7 =	sor.u32 $0x1C00, s7  }
0x4c: {  	[tilespmem:s7], [sflag:s17] =	stream.linear.gather [spmem:s6], $0x4000, $0x38;
	[tilespmem:$0x1A880] =	vst v63  }
.LBB2_5:
0x4d: {  	s6 =	sadd.s32 $0xAB, s4  }
0x4e: {  	s6 =	sshrl.u32 s6, $0xA  }
0x4f: {  	s6 =	sand.u32 $0x3F, s6  }
0x50: {  	s6 =	smul.u32 $0x6, s6;
	_ =	sdelay $0x1  }
0x51: {  	s6 =	ssub.s32 s0, s6  }
0x52: {  	s6 =	sand.u32 $0xFF, s6  }
0x53: {  	s7 =	sadd.s32 $0x1, s6  }
0x54: {  	_ =	swait.ge [sflag:s7], $0x4000  }
0x55: {  	s17 =	sshll.u32 s6, $0xE;
	[sflag:s7] =	ssyncset.done $0x0  }
0x56: {  	s6 =	sadd.s32 $0x7, s6;
	s17 =	sor.u32 $0x1C00, s17;
	[sflag:s7] =	ssyncadd.s32 $0xFFFFC000  }
0x57: {  	[tilespmem:s17], [sflag:s6] =	stream.indirect.gather.add.f32 [hbm:s1], $0x80, s28, s19, $0xb8;
	[tilespmem:$0x1A880] =	vst v63  }
.LBB2_6:
0x58: {  	s4 =	sshrl.u32 s4, $0xA  }
0x59: {  	s4 =	sand.u32 $0x3F, s4  }
0x5a: {  	s4 =	smul.u32 $0x6, s4;
	_ =	sdelay $0x1  }
0x5b: {  	s2 =	ssub.s32 s2, s4  }
0x5c: {  	s6 =	sand.u32 $0x1FFFF800, s31;
	s2 =	sand.u32 $0xFF, s2  }
0x5d: {  	s31 =	sadd.s32 $0x800, s31;
	p1 =	sne.s32 s0, $0x32;
	s7 =	sadd.s32 $0x7, s2  }
.Ltmp3:
0x5e: {  	s30 =	sadd.s32 $0x4000, s30;
	_ =	swait.ge [sflag:s7], $0x4000;
	(pc) =	sbr.rel @!p1 .LBB2_7-.Ltmp3, $4  }
0x5f: {  	s6 =	sadd.s32 s3, s6;
	s17 =	sshll.u32 s2, $0xE;
	[sflag:s7] =	ssyncset.done $0x0  }
0x60: {  	s2 =	sadd.s32 $0xD, s2;
	s4 =	sor.u32 $0x1C00, s17;
	[sflag:s7] =	ssyncadd.s32 $0xFFFFC000  }
0x61: {  	[hbm4b:s6+s5] =	stream.linear.scatter [tilespmem:s4], [sflag:s2], $0x4000, $0x38;
	[tilespmem:$0x1A880] =	vst v63  }
0x62: {  	s29 =	sadd.s32 $0x80, s29;
	s28 =	sadd.s32 $0x80, s28;
	s2 =	smov.u32 s0  }
.LBB2_2:
0x63: {  	p1 =	sgt.u32 s2, $0x2F  }
.Ltmp4:
0x64: {  	_ = 	snop;
	(pc) =	sbr.rel @!p1 .LBB2_3-.Ltmp4, $3  }
0x65: {  	_ =	sdelay $0x1  }
0x66: {  	s4 =	smul.u32 $0xAB, s2  }
0x67: {  	s0 =	sadd.s32 $0x1, s2  }
0x68: {  	p1 =	seq.s32 s2, $0x31  }
.Ltmp5:
0x69: {  	_ = 	snop;
	(pc) =	sbr.rel @p1 .LBB2_6-.Ltmp5, $4  }
.Ltmp6:
0x6a: {  	_ = 	snop;
	(pc) =	sbr.rel @!p1 .LBB2_5-.Ltmp6, $4  }
0x6b: {  	_ = 	snop  }
0x6c: {  	_ = 	snop  }
0x6d: {  	_ = 	snop  }
0x6e: {  	_ = 	snop  }
.LBB2_8:
0x6f: {  	_ =	sfence.sel $0x180000  }
0x70: {  	[bflag:$0x0] =	sbarrier.arrive $0xFFFF  }
0x71: {  	_ =	strace $0x90000047  }
0x72: {  	s0 =	stileid.u32;
	[bflag:$0x2] =	sbarrier.arrive $0xFFFF  }
0x73: {  	p0 =	sne.s32 s0, $0x0;
	s0 =	rddreg [dreg:$0x5]  }
0x74: {  	s0 =	sadd.s32 @!p0 $0x100000, s0  }
0x75: {  	[sflag:s0] =	ssyncadd.tile.s32 @!p0 $0x1;
	_ =	shalt  }
.Lfunc_end2:
_tile_overlayer_lowered:
.L_overlay_start_2:
0x76: {  	(tag) =	ssettag $0x2  }
0x77: {  	s0 =	rddreg [dreg:$0x0];
	s2 =	stileid.u32  }
0x78: {  	s1 =	rddreg [dreg:$0x1];
	p0 =	sne.s32 s2, $0x0  }
0x79: {  	s3 =	rddreg [dreg:$0x2];
	[bflag:$0x3] =	sbarrier.arrive $0xFFFF;
	s2 =	simm.s32 @!p0 $0x1C13  }
0x7a: {  	[timem:s3], [sflag:s2] =	dma.local @!p0 [hbm:s0], s1  }
0x7b: {  	s0 =	simm.s32 @!p0 $0x13  }
0x7c: {  	_ =	swait.ge @!p0 [sflag:s0], s1  }
0x7d: {  	s1 =	ssub.s32 @!p0 $0x0, s1;
	[sflag:s0] =	ssyncset.done @!p0 $0x0  }
0x7e: {  	[sflag:s0] =	ssyncadd.s32 @!p0 s1  }
0x7f: {  	[bflag:$0x3] =	sbarrier.arrive $0xFFFF  }
0x80: {  	_ =	shalt  }

</sc_bundles>
